<compile_context>
chip_gen: v7x
topology: tpu7x:2x2x1
jax: 0.10.2.dev20260603
libtpu: 0.0.44.dev20260713+nightly
codegen_flags: <defaults>
</compile_context>

<pallas_src>
import jax
import jax.numpy as jnp
from jax import lax
from jax.experimental import pallas as pl
from jax.experimental.pallas import tpu as pltpu
import jax.experimental.pallas.tpu_sc as plsc

N = 10000
E = 320000
D = 128
H = 128
O = 2
NP = 10240

NC = 2
NS = 16
NW = NC * NS
EPW = E // NW
CH = 125
NCH = EPW // CH
RPT = NP // NS

_SC_MESH = dict(core_axis_name="c", subcore_axis_name="s",
                num_cores=NC, num_subcores=NS)


def _sc_deg_body(dst_hbm, zeros_hbm, out_hbm, idx_v, hist):
    c = lax.axis_index("c")
    s = lax.axis_index("s")
    pltpu.sync_copy(zeros_hbm, hist)
    pltpu.sync_copy(dst_hbm.at[c, s], idx_v)
    one16 = jnp.ones((16,), jnp.int32)

    @pl.loop(0, EPW // 16)
    def _grp(j):
        idx = idx_v[0, pl.ds(j * 16, 16)]
        plsc.addupdate_scatter(hist.at[0], [idx], one16)

    pltpu.sync_copy(hist, out_hbm.at[c, s])


@jax.jit
def _sc_deg(dst_r2, zeros_i_hbm):
    return pl.kernel(
        _sc_deg_body,
        out_type=jax.ShapeDtypeStruct((NC, NS, 1, NP), jnp.int32),
        mesh=plsc.VectorSubcoreMesh(**_SC_MESH),
        scratch_types=[
            pltpu.VMEM((1, EPW), jnp.int32),
            pltpu.VMEM((1, NP), jnp.int32),
        ],
        compiler_params=pltpu.CompilerParams(needs_layout_passes=False),
    )(dst_r2, zeros_i_hbm)


def _sc_agg_body(hws_hbm, src_hbm, dst_hbm, zeros_hbm, out_hbm,
                 sidx_v, didx_v, rows0, rows1, acc,
                 sem0, sem1, semd0, semd1):
    c = lax.axis_index("c")
    s = lax.axis_index("s")
    pltpu.sync_copy(zeros_hbm, acc.at[pl.ds(s * RPT, RPT)])
    pltpu.sync_copy(src_hbm.at[c, s], sidx_v)
    plsc.subcore_barrier()

    rows = (rows0, rows1)
    sems = (sem0, sem1)
    semd = (semd0, semd1)
    for b in range(2):
        pltpu.async_copy(dst_hbm.at[c, s, b], didx_v.at[pl.ds(b, 1)], semd[b])
        pltpu.async_copy(hws_hbm.at[sidx_v.at[b]], rows[b], sems[b])

    @pl.loop(0, NCH, step=2)
    def _chunks(j):
        for b in range(2):
            jj = j + b
            pltpu.make_async_copy(hws_hbm.at[sidx_v.at[jj]],
                                  rows[b], sems[b]).wait()
            pltpu.make_async_copy(dst_hbm.at[c, s, jj],
                                  didx_v.at[pl.ds(b, 1)], semd[b]).wait()
            pltpu.sync_copy(rows[b], acc.at[didx_v.at[b]], add=True)
            nxt = jnp.minimum(jj + 2, NCH - 1)
            pltpu.async_copy(dst_hbm.at[c, s, nxt],
                             didx_v.at[pl.ds(b, 1)], semd[b])
            pltpu.async_copy(hws_hbm.at[sidx_v.at[nxt]], rows[b], sems[b])

    for b in range(2):
        pltpu.make_async_copy(hws_hbm.at[sidx_v.at[NCH - 1]],
                              rows[b], sems[b]).wait()
        pltpu.make_async_copy(dst_hbm.at[c, s, NCH - 1],
                              didx_v.at[pl.ds(b, 1)], semd[b]).wait()

    plsc.subcore_barrier()
    pltpu.sync_copy(acc.at[pl.ds(s * RPT, RPT)],
                    out_hbm.at[c, pl.ds(s * RPT, RPT)])


@jax.jit
def _sc_agg(hws, src_r, dst_r, zeros_hbm):
    return pl.kernel(
        _sc_agg_body,
        out_type=jax.ShapeDtypeStruct((NC, NP, H), jnp.float32),
        mesh=plsc.VectorSubcoreMesh(**_SC_MESH),
        scratch_types=[
            pltpu.VMEM((NCH, CH), jnp.int32),
            pltpu.VMEM((2, CH), jnp.int32),
            pltpu.VMEM((CH, H), jnp.float32),
            pltpu.VMEM((CH, H), jnp.float32),
            pltpu.VMEM_SHARED((NP, H), jnp.float32),
            pltpu.SemaphoreType.DMA,
            pltpu.SemaphoreType.DMA,
            pltpu.SemaphoreType.DMA,
            pltpu.SemaphoreType.DMA,
        ],
    )(hws, src_r, dst_r, zeros_hbm)


_BR = 512


def _tc_prep_body(x_ref, hist_ref, w1_ref, sw_ref, hws_ref, dinv_ref, res_ref):
    hs = jnp.sum(hist_ref[...].astype(jnp.float32), axis=0, keepdims=True)
    d_row = lax.rsqrt(hs + 1.0)
    rows = lax.broadcasted_iota(jnp.int32, (_BR, _BR), 0)
    cols = lax.broadcasted_iota(jnp.int32, (_BR, _BR), 1)
    dm = jnp.where(rows == cols, jnp.broadcast_to(d_row, (_BR, _BR)), 0.0)
    dinv = jnp.dot(dm, jnp.ones((_BR, H), jnp.float32),
                   preferred_element_type=jnp.float32)
    xb = x_ref[...]
    hw = jnp.dot(xb, w1_ref[...], preferred_element_type=jnp.float32)
    hws_ref[...] = hw * dinv
    dinv_ref[...] = dinv
    res_ref[...] = jnp.dot(xb, sw_ref[...], preferred_element_type=jnp.float32)


@jax.jit
def _tc_prep(x_pad, hist, W1, skip_W):
    grid = (NP // _BR,)
    blk = pl.BlockSpec((_BR, H), lambda i: (i, 0))
    return pl.pallas_call(
        _tc_prep_body,
        grid=grid,
        in_specs=[
            pl.BlockSpec((_BR, D), lambda i: (i, 0)),
            pl.BlockSpec((NW, _BR), lambda i: (0, i)),
            pl.BlockSpec((D, H), lambda i: (0, 0)),
            pl.BlockSpec((D, H), lambda i: (0, 0)),
        ],
        out_specs=[blk, blk, blk],
        out_shape=[
            jax.ShapeDtypeStruct((NP, H), jnp.float32),
            jax.ShapeDtypeStruct((NP, H), jnp.float32),
            jax.ShapeDtypeStruct((NP, H), jnp.float32),
        ],
    )(x_pad, hist, W1, skip_W)


def _tc_mid_body(s0_ref, s1_ref, hws_ref, dinv_ref, b_ref, g_ref, be_ref,
                 w2_ref, out_ref):
    d = dinv_ref[:, :1]
    bns = g_ref[...] * lax.rsqrt(jnp.float32(1.0 + 1e-5))
    h = (s0_ref[...] + s1_ref[...] + hws_ref[...]) * d + b_ref[...]
    h = jnp.maximum(h * bns + be_ref[...], 0.0)
    out_ref[...] = jnp.dot(h, w2_ref[...],
                           preferred_element_type=jnp.float32) * d


@jax.jit
def _tc_mid(s0, s1, hws1, dinv, b1, g1, be1, W2):
    grid = (NP // _BR,)
    blk = pl.BlockSpec((_BR, H), lambda i: (i, 0))
    vec = pl.BlockSpec((1, H), lambda i: (0, 0))
    return pl.pallas_call(
        _tc_mid_body,
        grid=grid,
        in_specs=[blk, blk, blk, blk, vec, vec, vec,
                  pl.BlockSpec((H, H), lambda i: (0, 0))],
        out_specs=blk,
        out_shape=jax.ShapeDtypeStruct((NP, H), jnp.float32),
    )(s0, s1, hws1, dinv, b1, g1, be1, W2)


def _tc_fin_body(s0_ref, s1_ref, hws_ref, dinv_ref, res_ref, b_ref, g_ref,
                 be_ref, lw_ref, lb_ref, out_ref):
    d = dinv_ref[:, :1]
    bns = g_ref[...] * lax.rsqrt(jnp.float32(1.0 + 1e-5))
    h = (s0_ref[...] + s1_ref[...] + hws_ref[...]) * d + b_ref[...]
    h = jnp.maximum(h * bns + be_ref[...] + res_ref[...], 0.0)
    out_ref[...] = jnp.dot(h, lw_ref[...],
                           preferred_element_type=jnp.float32) + lb_ref[...]


@jax.jit
def _tc_fin(s0, s1, hws2, dinv, resid, b2, g2, be2, lin_W_pad, lin_b_pad):
    grid = (NP // _BR,)
    blk = pl.BlockSpec((_BR, H), lambda i: (i, 0))
    vec = pl.BlockSpec((1, H), lambda i: (0, 0))
    return pl.pallas_call(
        _tc_fin_body,
        grid=grid,
        in_specs=[blk, blk, blk, blk, blk, vec, vec, vec,
                  pl.BlockSpec((H, H), lambda i: (0, 0)), vec],
        out_specs=blk,
        out_shape=jax.ShapeDtypeStruct((NP, H), jnp.float32),
    )(s0, s1, hws2, dinv, resid, b2, g2, be2, lin_W_pad, lin_b_pad)


def kernel(x, edge_index, W1, b1, W2, b2, g1, be1, g2, be2,
           skip_W, lin_W, lin_b):
    src_r = edge_index[0].reshape(NC, NS, NCH, CH)
    dst_r2 = edge_index[1].reshape(NC, NS, 1, EPW)
    dst_r5 = edge_index[1].reshape(NC, NS, NCH, 1, CH)
    x_pad = jnp.pad(x, ((0, NP - N), (0, 0)))

    zeros_hbm = jnp.zeros((RPT, H), jnp.float32)
    zeros_i_hbm = jnp.zeros((1, NP), jnp.int32)

    degp = _sc_deg(dst_r2, zeros_i_hbm)
    hws1, dinv, resid = _tc_prep(x_pad, degp.reshape(NW, NP), W1, skip_W)

    agg1 = _sc_agg(hws1, src_r, dst_r5, zeros_hbm)
    hws2 = _tc_mid(agg1[0], agg1[1], hws1, dinv,
                   b1.reshape(1, H), g1.reshape(1, H), be1.reshape(1, H), W2)

    agg2 = _sc_agg(hws2, src_r, dst_r5, zeros_hbm)
    lin_W_pad = jnp.pad(lin_W, ((0, 0), (0, H - O)))
    lin_b_pad = jnp.pad(lin_b, ((0, H - O),)).reshape(1, H)
    out = _tc_fin(agg2[0], agg2[1], hws2, dinv, resid,
                  b2.reshape(1, H), g2.reshape(1, H), be2.reshape(1, H),
                  lin_W_pad, lin_b_pad)
    return out[:N, :O]

# --- scband reference (transcript-rebuilt; emitter-appended) ---
"""Pipeline reference for scband-gcnnet-46119358824963 (READ-ONLY COPY).

The authoritative reference and input builder live on the scoring server;
editing this copy changes nothing except your own understanding.
"""

import jax, jax.numpy as jnp
import numpy as np

N = 10000
E = 320000
D = 128
H = 128
O = 2


def setup_inputs(seed: int = 0) -> dict:
    key = jax.random.key(seed)
    ks = jax.random.split(key, 14)
    x = jax.random.normal(ks[0], (N, D), dtype=jnp.float32)
    edge_index = jax.random.randint(ks[1], (2, E), 0, N)
    s = 0.1
    W1 = jax.random.normal(ks[2], (D, H), dtype=jnp.float32) * s
    b1 = jax.random.normal(ks[3], (H,), dtype=jnp.float32) * s
    W2 = jax.random.normal(ks[4], (H, H), dtype=jnp.float32) * s
    b2 = jax.random.normal(ks[5], (H,), dtype=jnp.float32) * s
    g1 = jnp.ones((H,), dtype=jnp.float32)
    be1 = jnp.zeros((H,), dtype=jnp.float32)
    g2 = jnp.ones((H,), dtype=jnp.float32)
    be2 = jnp.zeros((H,), dtype=jnp.float32)
    skip_W = jax.random.normal(ks[6], (D, H), dtype=jnp.float32) * s
    lin_W = jax.random.normal(ks[7], (H, O), dtype=jnp.float32) * s
    lin_b = jax.random.normal(ks[8], (O,), dtype=jnp.float32) * s
    return {"x": x, "edge_index": edge_index, "W1": W1, "b1": b1, "W2": W2, "b2": b2,
            "g1": g1, "be1": be1, "g2": g2, "be2": be2,
            "skip_W": skip_W, "lin_W": lin_W, "lin_b": lin_b}


def reference(x, edge_index, W1, b1, W2, b2, g1, be1, g2, be2, skip_W, lin_W, lin_b):
    # GCNConv (PyG semantics): add self-loops, symmetric degree normalization,
    # linear transform, scatter-add aggregation at destination nodes.
    loop = jnp.arange(N)
    src = jnp.concatenate([edge_index[0], loop])
    dst = jnp.concatenate([edge_index[1], loop])
    deg = jnp.zeros((N,), dtype=x.dtype).at[dst].add(1.0)
    dinv = jnp.where(deg > 0, jax.lax.rsqrt(deg), 0.0)
    norm = dinv[src] * dinv[dst]

    def gcn(h, W, b):
        hw = h @ W
        msg = hw[src] * norm[:, None]
        return jax.ops.segment_sum(msg, dst, num_segments=N) + b

    eps = 1e-5

    def bn(h, g, be):
        # eval-mode BatchNorm1d with running_mean=0, running_var=1
        return h / jnp.sqrt(1.0 + eps) * g + be

    residual = x @ skip_W
    h1 = gcn(x, W1, b1)
    h1 = jax.nn.relu(bn(h1, g1, be1))
    # dropout is identity in eval mode
    h2 = gcn(h1, W2, b2)
    h2 = jax.nn.relu(bn(h2, g2, be2) + residual)
    return h2 @ lin_W + lin_b

if __name__ == "__main__":
    import jax
    _d = setup_inputs()
    print(jax.jit(kernel)(*tuple(_d.values())))

</pallas_src>

<mosaic_0001>
#map = affine_map<(d0, d1) -> (0, 0, 0, 0)>
#map1 = affine_map<(d0, d1) -> (0, 0)>
module attributes {stable_mosaic.version = 14 : i64} {
  func.func @_sc_deg_body(%arg0: i32, %arg1: i32, %arg2: memref<2x16x1x10000xi32, #tpu.memory_space<hbm>>, %arg3: memref<1x10240xi32, #tpu.memory_space<hbm>>, %arg4: memref<2x16x1x10240xi32, #tpu.memory_space<hbm>>, %arg5: memref<1x10000xi32, #tpu.memory_space<vmem>>, %arg6: memref<1x10240xi32, #tpu.memory_space<vmem>>) attributes {dimension_semantics = [#tpu.dimension_semantics<core_parallel>, #tpu.dimension_semantics<subcore_parallel>], iteration_bounds = array<i64: 2, 16>, scalar_prefetch = 0 : i64, scratch_operands = 2 : i64, tpu.core_type = #tpu.core_type<sc_vector_subcore>, window_params = [{transform_indices = #map}, {transform_indices = #map1}, {transform_indices = #map}]} {
    "tpu.region"() ({
      %run_scoped3A = tpu.sem_alloc : memref<!tpu.dma_semaphore, #tpu.memory_space<semaphore_mem>>
      tpu.enqueue_dma source(%arg3 : memref<1x10240xi32, #tpu.memory_space<hbm>>) target(%arg6 : memref<1x10240xi32, #tpu.memory_space<vmem>>) target_semaphore(%run_scoped3A : memref<!tpu.dma_semaphore, #tpu.memory_space<semaphore_mem>>)
      tpu.wait_dma2 semaphore(%run_scoped3A : memref<!tpu.dma_semaphore, #tpu.memory_space<semaphore_mem>>) src(%arg3 : memref<1x10240xi32, #tpu.memory_space<hbm>>) dst(%arg6 : memref<1x10240xi32, #tpu.memory_space<vmem>>)
      tpu.yield
    }) : () -> ()
    "tpu.region"() ({
      %run_scoped3A = tpu.sem_alloc : memref<!tpu.dma_semaphore, #tpu.memory_space<semaphore_mem>>
      %dma_start3A = arith.constant 0 : i32
      %dma_start3A_5 = arith.constant 0 : i32
      %dma_start3A_6 = tpu.memref_slice %arg2[%arg0, %arg1, %dma_start3A, %dma_start3A_5] : memref<2x16x1x10000xi32, #tpu.memory_space<hbm>> -> memref<1x1x1x10000xi32, #tpu.memory_space<hbm>>
      %dma_start3A_7 = tpu.memref_squeeze %dma_start3A_6 : memref<1x1x1x10000xi32, #tpu.memory_space<hbm>> -> memref<1x10000xi32, #tpu.memory_space<hbm>>
      %dma_start3A_8 = arith.constant 0 : i32
      %dma_start3A_9 = arith.constant 0 : i32
      %dma_start3A_10 = tpu.memref_slice %arg2[%arg0, %arg1, %dma_start3A_8, %dma_start3A_9] : memref<2x16x1x10000xi32, #tpu.memory_space<hbm>> -> memref<1x1x1x10000xi32, #tpu.memory_space<hbm>>
      %dma_start3A_11 = tpu.memref_squeeze %dma_start3A_10 : memref<1x1x1x10000xi32, #tpu.memory_space<hbm>> -> memref<1x10000xi32, #tpu.memory_space<hbm>>
      tpu.enqueue_dma source(%dma_start3A_11 : memref<1x10000xi32, #tpu.memory_space<hbm>>) target(%arg5 : memref<1x10000xi32, #tpu.memory_space<vmem>>) target_semaphore(%run_scoped3A : memref<!tpu.dma_semaphore, #tpu.memory_space<semaphore_mem>>)
      %dma_wait3A = arith.constant 0 : i32
      %dma_wait3A_12 = arith.constant 0 : i32
      %dma_wait3A_13 = tpu.memref_slice %arg2[%arg0, %arg1, %dma_wait3A, %dma_wait3A_12] : memref<2x16x1x10000xi32, #tpu.memory_space<hbm>> -> memref<1x1x1x10000xi32, #tpu.memory_space<hbm>>
      %dma_wait3A_14 = tpu.memref_squeeze %dma_wait3A_13 : memref<1x1x1x10000xi32, #tpu.memory_space<hbm>> -> memref<1x10000xi32, #tpu.memory_space<hbm>>
      %dma_wait3A_15 = arith.constant 0 : i32
      %dma_wait3A_16 = arith.constant 0 : i32
      %dma_wait3A_17 = tpu.memref_slice %arg2[%arg0, %arg1, %dma_wait3A_15, %dma_wait3A_16] : memref<2x16x1x10000xi32, #tpu.memory_space<hbm>> -> memref<1x1x1x10000xi32, #tpu.memory_space<hbm>>
      %dma_wait3A_18 = tpu.memref_squeeze %dma_wait3A_17 : memref<1x1x1x10000xi32, #tpu.memory_space<hbm>> -> memref<1x10000xi32, #tpu.memory_space<hbm>>
      tpu.wait_dma2 semaphore(%run_scoped3A : memref<!tpu.dma_semaphore, #tpu.memory_space<semaphore_mem>>) src(%dma_wait3A_18 : memref<1x10000xi32, #tpu.memory_space<hbm>>) dst(%arg5 : memref<1x10000xi32, #tpu.memory_space<vmem>>)
      tpu.yield
    }) : () -> ()
    %broadcast_in_dim3A = arith.constant 1 : i32
    %broadcast_in_dim3A_0 = vector.broadcast %broadcast_in_dim3A : i32 to vector<16xi32>
    %scan3A = arith.constant 0 : i32
    %scan3A_1 = arith.constant 625 : i32
    %scan3A_2 = arith.addi %scan3A, %scan3A_1 : i32
    %scan3A_3 = arith.constant 1 : i32
    scf.for %scan3A_5 = %scan3A to %scan3A_2 step %scan3A_3  : i32 {
      %mul3A = arith.constant 1 : i32
      %mul3A_6 = arith.muli %scan3A_5, %mul3A : i32
      %add3A = arith.constant 0 : i32
      %add3A_7 = arith.addi %add3A, %mul3A_6 : i32
      %mul3A_8 = arith.constant 16 : i32
      %mul3A_9 = arith.muli %add3A_7, %mul3A_8 : i32
      %get3A = arith.constant 0 : i32
      %get3A_10 = arith.index_cast %get3A : i32 to index
      %get3A_11 = arith.index_cast %mul3A_9 : i32 to index
      %get3A_12 = tpu.vector_load %arg5[%get3A_10, %get3A_11] {strides = array<i32>} : memref<1x10000xi32, #tpu.memory_space<vmem>>, vector<16xi32>,
      %scatter3A = arith.constant 0 : i32
      %scatter3A_13 = arith.constant 0 : i32
      %scatter3A_14 = tpu.memref_slice %arg6[%scatter3A, %scatter3A_13] : memref<1x10240xi32, #tpu.memory_space<vmem>> -> memref<1x10240xi32, #tpu.memory_space<vmem>>
      %scatter3A_15 = tpu.memref_squeeze %scatter3A_14 : memref<1x10240xi32, #tpu.memory_space<vmem>> -> memref<10240xi32, #tpu.memory_space<vmem>>
      tpu.vector_store_idx %scatter3A_15[%get3A_12], %broadcast_in_dim3A_0 {add = true} : memref<10240xi32, #tpu.memory_space<vmem>>[vector<16xi32>], vector<16xi32>,
    }
    %scan3A_4 = arith.constant 625 : i32
    "tpu.region"() ({
      %run_scoped3A = tpu.sem_alloc : memref<!tpu.dma_semaphore, #tpu.memory_space<semaphore_mem>>
      %dma_start3A = arith.constant 0 : i32
      %dma_start3A_5 = arith.constant 0 : i32
      %dma_start3A_6 = tpu.memref_slice %arg4[%arg0, %arg1, %dma_start3A, %dma_start3A_5] : memref<2x16x1x10240xi32, #tpu.memory_space<hbm>> -> memref<1x1x1x10240xi32, #tpu.memory_space<hbm>>
      %dma_start3A_7 = tpu.memref_squeeze %dma_start3A_6 : memref<1x1x1x10240xi32, #tpu.memory_space<hbm>> -> memref<1x10240xi32, #tpu.memory_space<hbm>>
      %dma_start3A_8 = arith.constant 0 : i32
      %dma_start3A_9 = arith.constant 0 : i32
      %dma_start3A_10 = tpu.memref_slice %arg4[%arg0, %arg1, %dma_start3A_8, %dma_start3A_9] : memref<2x16x1x10240xi32, #tpu.memory_space<hbm>> -> memref<1x1x1x10240xi32, #tpu.memory_space<hbm>>
      %dma_start3A_11 = tpu.memref_squeeze %dma_start3A_10 : memref<1x1x1x10240xi32, #tpu.memory_space<hbm>> -> memref<1x10240xi32, #tpu.memory_space<hbm>>
      tpu.enqueue_dma source(%arg6 : memref<1x10240xi32, #tpu.memory_space<vmem>>) target(%dma_start3A_11 : memref<1x10240xi32, #tpu.memory_space<hbm>>) target_semaphore(%run_scoped3A : memref<!tpu.dma_semaphore, #tpu.memory_space<semaphore_mem>>)
      %dma_wait3A = arith.constant 0 : i32
      %dma_wait3A_12 = arith.constant 0 : i32
      %dma_wait3A_13 = tpu.memref_slice %arg4[%arg0, %arg1, %dma_wait3A, %dma_wait3A_12] : memref<2x16x1x10240xi32, #tpu.memory_space<hbm>> -> memref<1x1x1x10240xi32, #tpu.memory_space<hbm>>
      %dma_wait3A_14 = tpu.memref_squeeze %dma_wait3A_13 : memref<1x1x1x10240xi32, #tpu.memory_space<hbm>> -> memref<1x10240xi32, #tpu.memory_space<hbm>>
      %dma_wait3A_15 = arith.constant 0 : i32
      %dma_wait3A_16 = arith.constant 0 : i32
      %dma_wait3A_17 = tpu.memref_slice %arg4[%arg0, %arg1, %dma_wait3A_15, %dma_wait3A_16] : memref<2x16x1x10240xi32, #tpu.memory_space<hbm>> -> memref<1x1x1x10240xi32, #tpu.memory_space<hbm>>
      %dma_wait3A_18 = tpu.memref_squeeze %dma_wait3A_17 : memref<1x1x1x10240xi32, #tpu.memory_space<hbm>> -> memref<1x10240xi32, #tpu.memory_space<hbm>>
      tpu.wait_dma2 semaphore(%run_scoped3A : memref<!tpu.dma_semaphore, #tpu.memory_space<semaphore_mem>>) src(%arg6 : memref<1x10240xi32, #tpu.memory_space<vmem>>) dst(%dma_wait3A_18 : memref<1x10240xi32, #tpu.memory_space<hbm>>)
      tpu.yield
    }) : () -> ()
    return
  }
}

</mosaic_0001>

<sc_bundles>
// kernel: _sc_deg.3.cloned.1.call-start
scs
__scs_entry_jumppad:
0x0: {  	(pc) =	sbr.rel $0x88, $3  }
0x1: {  	(tag) =	ssettag $0x0;
	lr =	simm.s32 $0x1  }
0x2: {  	[smem:$0x3F9F] =	sst lr;
	_ =	strace $0xD0000000  }
0x3: {  	_ = 	snop  }
0x4: {  	_ = 	snop  }
0x5: {  	_ = 	snop  }
0x6: {  	_ = 	snop  }
0x7: {  	_ = 	snop  }
__scs_overlays_trampoline_lowered:
0x8: {  	[smem:$0x3FAE] =	sst s0  }
0x9: {  	[smem:$0x3FAF] =	sst s1  }
0xa: {  	[smem:$0x3FB0] =	sst s2  }
0xb: {  	[smem:$0x3FB1] =	sst s3  }
0xc: {  	[smem:$0x3FB2] =	sst s4  }
0xd: {  	[smem:$0x3FB3] =	sst s5  }
0xe: {  	[smem:$0x3FB4] =	sst s6  }
0xf: {  	[smem:$0x3FB5] =	sst s7  }
0x10: {  	[smem:$0x3FB6] =	sst s8  }
0x11: {  	[smem:$0x3FB7] =	sst s9;
	s0 =	simm.s32 @!p0 $0x0  }
0x12: {  	s1 =	sld [smem:$0x3F9D];
	s0 =	simm.s32 @p0 $0x1  }
0x13: {  	[smem:$0x3FB8] =	sst s0;
	s0 =	simm.s32 @!p1 $0x0  }
0x14: {  	s2 =	sld [smem:$0x3F9C];
	s0 =	simm.s32 @p1 $0x1  }
0x15: {  	[smem:$0x3FB9] =	sst s0;
	s0 =	simm.s32 @!p2 $0x0  }
0x16: {  	s3 =	sld [smem:$0x3FDB];
	s0 =	simm.s32 @p2 $0x1  }
0x17: {  	s4 =	simm.s32 $0x1BF5;
	[smem:$0x3FBB] =	sst s0  }
0x18: {  	s0 =	sld [smem:$0x3F9E];
	_ =	swait.ge [sflag:s4], $0x0  }
0x19: {  	s7 =	sld [smem:$0x3F9F]  }
0x1a: {  	s8 =	sadd.s32 $0xFFFFE003, lr  }
0x1b: {  	s9 =	sadd.s32 $0xFFFFFEF7, lr;
	s5 =	simm.s32 $0xFFFFFFFF;
	p2 =	slt.u32 s8, $0xFFFFF086  }
0x1c: {  	p1 =	slt.u32 s9, $0xF7A;
	s5 =	simm.s32 @!p2 $0x0  }
0x1d: {  	s5 =	simm.s32 @p1 $0x1;
	p0 =	seq.s32 s7, s2  }
0x1e: {  	s7 =	smul.u32 @!p0 $0xF7A, s2;
	p2 =	seq.s32 @!p0 s5, $0x0  }
0x1f: {  	s9 =	smul.u32 $0xF7A, s1;
	s8 =	simm.s32 @!p0 $0x1BF5;
	p2 =	por !p2, p0  }
0x20: {  	[sflag:s8] =	ssyncset.s32 @!p0 $0xFFFFF086;
	s6 =	sadd.s32 @!p0 s3, s7;
	s7 =	simm.s32 @!p0 $0x108  }
0x21: {  	s3 =	sadd.s32 s3, s9;
	s6 =	sadd.s32 @!p0 $0x88, s6;
	s7 =	simm.s32 @p2 $0x1082  }
0x22: {  	[simem:s7], [sflag:s8] =	dma.local @!p0 [hbm:s6], $0xF7A  }
0x23: {  	s9 =	sor.u32 $0xD0000000, s2;
	s6 =	simm.s32 $0x108;
	_ =	swait.ge @!p0 [sflag:s8], $0x0  }
0x24: {  	s3 =	sadd.s32 $0x88, s3;
	s6 =	simm.s32 @!p1 $0x1082;
	[sflag:s4] =	ssyncset.s32 $0xFFFFF086  }
0x25: {  	[simem:s6], [sflag:s4] =	dma.local [hbm:s3], $0xF7A  }
0x26: {  	[smem:$0x3F9F] =	sst s1;
	(tag) =	ssettag s2;
	_ =	strace s9  }
0x27: {  	s1 =	sld [smem:$0x3FAF]  }
0x28: {  	s2 =	sld [smem:$0x3FB0]  }
0x29: {  	s4 =	sld [smem:$0x3FB2]  }
0x2a: {  	p0 =	seq.s32 s5, $0x0;
	s5 =	sld [smem:$0x3FB3]  }
0x2b: {  	s6 =	sld [smem:$0x3FB4]  }
0x2c: {  	s7 =	sld [smem:$0x3FB5]  }
0x2d: {  	s3 =	simm.s32 $0x108;
	s8 =	sld [smem:$0x3FB6]  }
0x2e: {  	s3 =	simm.s32 @!p0 $0x1082;
	s9 =	sld [smem:$0x3FB7]  }
0x2f: {  	lr =	sadd.s32 s0, s3;
	s0 =	sld [smem:$0x3FAE]  }
0x30: {  	s3 =	sld [smem:$0x3FB1]  }
0x31: {  	[smem:$0x3FBA] =	sst s10  }
0x32: {  	s10 =	sld [smem:$0x3FB8];
	_ =	sdelay $0x3  }
0x33: {  	p0 =	seq.s32 s10, $0x1;
	s10 =	sld [smem:$0x3FBA];
	_ =	sdelay $0x3  }
0x34: {  	[smem:$0x3FBA] =	sst s10  }
0x35: {  	s10 =	sld [smem:$0x3FB9];
	_ =	sdelay $0x3  }
0x36: {  	p1 =	seq.s32 s10, $0x1;
	s10 =	sld [smem:$0x3FBA];
	_ =	sdelay $0x3  }
0x37: {  	[smem:$0x3FBA] =	sst s10  }
0x38: {  	s10 =	sld [smem:$0x3FBB]  }
0x39: {  	_ = 	snop;
	(pc) =	sbr.ind lr, $3  }
0x3a: {  	_ = 	snop  }
0x3b: {  	_ = 	snop  }
0x3c: {  	p2 =	seq.s32 s10, $0x1;
	s10 =	sld [smem:$0x3FBA]  }
0x3d: {  	_ =	shalt  }
0x3e: {  	_ =	shalt  }
0x3f: {  	_ =	shalt  }
0x40: {  	_ =	shalt  }
0x41: {  	_ =	shalt  }
0x42: {  	_ =	shalt  }
0x43: {  	_ =	shalt  }
0x44: {  	_ =	shalt  }
0x45: {  	_ =	shalt  }
0x46: {  	_ =	shalt  }
0x47: {  	_ =	shalt  }
0x48: {  	_ =	shalt  }
0x49: {  	_ =	shalt  }
0x4a: {  	_ =	shalt  }
0x4b: {  	_ =	shalt  }
0x4c: {  	_ =	shalt  }
0x4d: {  	_ =	shalt  }
0x4e: {  	_ =	shalt  }
0x4f: {  	_ =	shalt  }
0x50: {  	_ =	shalt  }
0x51: {  	_ =	shalt  }
0x52: {  	_ =	shalt  }
0x53: {  	_ =	shalt  }
0x54: {  	_ =	shalt  }
0x55: {  	_ =	shalt  }
0x56: {  	_ =	shalt  }
0x57: {  	_ =	shalt  }
0x58: {  	_ =	shalt  }
0x59: {  	_ =	shalt  }
0x5a: {  	_ =	shalt  }
0x5b: {  	_ =	shalt  }
0x5c: {  	_ =	shalt  }
0x5d: {  	_ =	shalt  }
0x5e: {  	_ =	shalt  }
0x5f: {  	_ =	shalt  }
0x60: {  	_ =	shalt  }
0x61: {  	_ =	shalt  }
0x62: {  	_ =	shalt  }
0x63: {  	_ =	shalt  }
0x64: {  	_ =	shalt  }
0x65: {  	_ =	shalt  }
0x66: {  	_ =	shalt  }
0x67: {  	_ =	shalt  }
0x68: {  	_ =	shalt  }
0x69: {  	_ =	shalt  }
0x6a: {  	_ =	shalt  }
0x6b: {  	_ =	shalt  }
0x6c: {  	_ =	shalt  }
0x6d: {  	_ =	shalt  }
0x6e: {  	_ =	shalt  }
0x6f: {  	_ =	shalt  }
0x70: {  	_ =	shalt  }
0x71: {  	_ =	shalt  }
0x72: {  	_ =	shalt  }
0x73: {  	_ =	shalt  }
0x74: {  	_ =	shalt  }
0x75: {  	_ =	shalt  }
0x76: {  	_ =	shalt  }
0x77: {  	_ =	shalt  }
0x78: {  	_ =	shalt  }
0x79: {  	_ =	shalt  }
0x7a: {  	_ =	shalt  }
0x7b: {  	_ =	shalt  }
0x7c: {  	_ =	shalt  }
0x7d: {  	_ =	shalt  }
0x7e: {  	_ =	shalt  }
0x7f: {  	_ =	shalt  }
0x80: {  	_ =	shalt  }
0x81: {  	_ =	shalt  }
0x82: {  	_ =	shalt  }
0x83: {  	_ =	shalt  }
0x84: {  	_ =	shalt  }
0x85: {  	_ =	shalt  }
0x86: {  	_ =	shalt  }
0x87: {  	_ =	shalt  }
.Lfunc_end0:
.L_simem_size_0:
called_computation_lowered:
.L_overlay_start_0:
0x88: {  	s2 =	sld [smem:$0x3FD9]  }
0x89: {  	s3 =	sld [smem:$0x3FFE];
	_ =	sdelay $0x1  }
0x8a: {  	s1 =	srdreg.scid  }
0x8b: {  	s0 =	sand.u32 $0x1, s1  }
0x8c: {  	s18 =	sshll.u32 s0, $0xA;
	s2 =	sadd.s32 s3, s2  }
0x8d: {  	s2 =	sadd.s32 s2, s18  }
0x8e: {  	[smem:$0x3FC6] =	sst s2  }
0x8f: {  	_ = 	snop  }
0x90: {  	s2 =	sld [smem:$0x3FC9]  }
0x91: {  	s19 =	sld [smem:$0x3FC8]  }
0x92: {  	s4 =	sld [smem:$0x3FD0];
	(tm) =	ssettm $0x1  }
0x93: {  	s5 =	sld [smem:$0x3FFB];
	_ =	sdelay $0x3  }
0x94: {  	_ =	strace s5  }
0x95: {  	s5 =	sld [smem:$0x3FFC];
	_ =	sdelay $0x3  }
0x96: {  	_ =	strace s5  }
0x97: {  	s5 =	sld [smem:$0x3FFD];
	_ =	sdelay $0x3  }
0x98: {  	_ =	strace s5  }
0x99: {  	_ =	strace $0x8FFFFFFF  }
0x9a: {  	s20 =	sld [smem:$0x3FDB];
	_ =	sdelay $0x1  }
0x9b: {  	s6 =	simm.s32 $_scs_section_size  }
0x9c: {  	s7 =	simm.s32 $_size__tile_overlayer_lowered;
	s8 =	simm.s32 $_tile_overlayer_lowered  }
0x9d: {  	s23 =	simm.s32 $0x1BFF;
	s22 =	sshll.u32 s8, $0x1;
	s5 =	sadd.s32 s6, s20  }
0x9e: {  	s9 =	simm.s32 $0x0;
	s21 =	sshll.u32 s7, $0x1;
	s7 =	sadd.s32 s22, s5  }
0x9f: {  	[timem:s9], [sflag:s23] =	dma.local [hbm:s7], s21  }
0xa0: {  	_ =	swait.ge [sflag:s23], s21  }
0xa1: {  	s6 =	ssub.s32 $0x0, s21;
	[sflag:s23] =	ssyncset.done $0x0  }
0xa2: {  	[sflag:s23] =	ssyncadd.s32 s6;
	_ =	sdelay $0x1  }
0xa3: {  	s24 =	simm.s32 $0x1B8B  }
0xa4: {  	_ =	swait.ge [sflag:s24], $0x1  }
0xa5: {  	[sflag:s24] =	ssyncset.done $0x0  }
0xa6: {  	s25 =	simm.s32 $0x1B8E;
	[sflag:s24] =	ssyncadd.s32 $0xFFFFFFFF  }
0xa7: {  	s26 =	simm.s32 $execute0_lowered;
	[smem:$0x3FD2] =	sst s25  }
0xa8: {  	s6 =	sshll.u32 s26, $0x1;
	_ =	strace $0x80000046;
	[dreg:$0x1] =	wrdreg $0xFFFFFFFF  }
0xa9: {  	s28 =	simm.s32 $_size_execute0_lowered;
	s5 =	sadd.s32 s5, s6;
	[dreg:$0x0] =	wrdreg $0x0  }
0xaa: {  	s6 =	sshll.u32 s28, $0x1;
	[dreg:$0x2] =	wrdreg s5  }
0xab: {  	[dreg:$0x3] =	wrdreg s6  }
0xac: {  	[dreg:$0x4] =	wrdreg $0xC0  }
0xad: {  	_ =	task [dreg:s9], $0x5FFFF  }
0xae: {  	[dreg:$0x1] =	wrdreg $0xFFFFFFFF  }
0xaf: {  	[dreg:$0x0] =	wrdreg $0x60  }
0xb0: {  	[dreg:$0x2] =	wrdreg s2  }
0xb1: {  	[dreg:$0x3] =	wrdreg s19  }
0xb2: {  	[dreg:$0x4] =	wrdreg s4  }
0xb3: {  	[dreg:$0x5] =	wrdreg $0x9  }
0xb4: {  	_ =	task.clear_ibuf [dreg:s9], $0x6FFFF;
	_ =	strace $0x90000046  }
0xb5: {  	s29 =	simm.s32 $0x9;
	_ =	strace $0x80000048  }
0xb6: {  	_ =	swait.ge [sflag:s29], $0x1  }
0xb7: {  	[sflag:s29] =	ssyncadd.s32 $0xFFFFFFFF  }
0xb8: {  	_ =	strace $0x90000048  }
0xb9: {  	_ =	sfence  }
0xba: {  	s30 =	sld [smem:$0x0];
	_ =	sdelay $0x2  }
0xbb: {  	s31 =	sshll.u32 s1, $0xD;
	s1 =	sshrl.u32 s1, $0x2  }
0xbc: {  	s3 =	sand.u32 $0x4000, s31;
	s1 =	sadd.s32 s1, s30  }
0xbd: {  	s0 =	sor.u32 s3, s0;
	s1 =	sshll.u32 s1, $0x11  }
0xbe: {  	s0 =	sor.u32 s1, s0  }
0xbf: {  	s0 =	sadd.s32 $0x8F2B, s0  }
0xc0: {  	[sflag:s0] =	ssyncadd.remote.s32 $0x1  }
0xc1: {  	_ =	sfence.sel $0xFFFF  }
0xc2: {  	[dreg:$0x0] =	wrdreg $0xFFFFFFFF;
	(pc) =	sbr.abs _section_cstart, $3  }
0xc3: {  	[dreg:$0x1] =	wrdreg $0xFFFFFFFF  }
0xc4: {  	_ =	task.clear_ibuf [dreg:s9], $0x2FFFF;
	_ =	strace $0x9FFFFFFF  }
0xc5: {  	(tm) =	ssettm $0x7FFFFFFF  }
tec
execute0_lowered:
.L_overlay_start_1:
0x0: {  	(tag) =	ssettag $0x1  }
0x1: {  	s0 =	srdreg.scid  }
0x2: {  	s4 =	rddreg [dreg:$0x0];
	s5 =	sand.u32 $0x1, s0  }
0x3: {  	s0 =	stileid.u32;
	s6 =	smul.u32 $0x27800, s5  }
0x4: {  	s2 =	rddreg [dreg:$0x1];
	s7 =	smul.u32 $0x2780, s0  }
0x5: {  	s8 =	rddreg [dreg:$0x2];
	s3 =	simm.s32 $0x0;
	s9 =	smul.u32 $0x28000, s5  }
0x6: {  	[smem:$0x7FF] =	sst s3;
	s10 =	smul.u32 $0x2800, s0  }
0x7: {  	s1 =	rddreg [dreg:$0x3];
	s5 =	ssub.s32 $0x2, s5;
	_ =	strace $0x80000047  }
0x8: {  	s29 =	sshrl.u32 s5, $0x1;
	s6 =	sadd.s32 s7, s6;
	s28 =	sadd.s32 s10, s9  }
0x9: {  	s9 =	ssub.s32 s5, s29;
	s7 =	simm.s32 $0x2780;
	s30 =	sshrl.u32 s6, $0x3  }
0xa: {  	s31 =	sshrl.u32 s28, $0x3;
	s6 =	smax.u32 s9, $0x1;
	s9 =	simm.s32 $0x0  }
0xb: {  	v0 =	vimm.s32 $0x1;
	s4 =	sadd.s32 s4, s30;
	s5 =	sadd.s32 s8, s31;
	s8 =	simm.s32 $0x1  }
.LBB2_1:
0xc: {  	[tilespmem:s7], [sflag:$0x1] =	stream.linear.gather [hbm4b:s2+s3], $0x2800, $0x38;
	[tilespmem:$0x4F80] =	vst v63  }
0xd: {  	_ =	swait.ge [sflag:s8], $0x2800  }
0xe: {  	[sflag:s8] =	ssyncset.done $0x0  }
0xf: {  	[sflag:s8] =	ssyncadd.s32 $0xFFFFD800  }
0x10: {  	[tilespmem:s3], [sflag:$0x1] =	stream.linear.gather [hbm4b:s4+s3], $0x2780, $0x38;
	[tilespmem:$0x4F80] =	vst v63  }
0x11: {  	_ =	swait.ge [sflag:s8], $0x2780  }
0x12: {  	[sflag:s8] =	ssyncset.done $0x0  }
0x13: {  	s11 =	simm.s32 $0x0;
	s10 =	simm.s32 $0x40;
	[sflag:s8] =	ssyncadd.s32 $0xFFFFD880  }
.LBB2_2:
0x14: {  	p0 =	sne.s32 s10, $0x9C00;
	v1 =	vld [tilespmem:s11+$0x0];
	_ =	sdelay $0x3  }
.Ltmp0:
0x15: {  	(pc) =	sbr.rel @p0 .LBB2_2-.Ltmp0, $2  }
0x16: {  	_ =	sdelay $0x2  }
0x17: {  	s11 =	sshra.s32 s10, $0x2;
	s10 =	sadd.s32 $0x40, s10;
	[tilespmem:v1+s7+$0x0] =	vst.idx.add.s32.msk $0xffff, v0  }
0x18: {  	v1 =	vld [tilespmem:s11+$0x0];
	_ =	sdelay $0x5  }
0x19: {  	s9 =	sadd.s32 $0x1, s9  }
0x1a: {  	p0 =	sne.s32 s9, s6  }
.Ltmp1:
0x1b: {  	[tilespmem:v1+s7+$0x0] =	vst.idx.add.s32.msk $0xffff, v0;
	(pc) =	sbr.rel @p0 .LBB2_1-.Ltmp1, $4  }
0x1c: {  	[hbm4b:s5+s3] =	stream.linear.scatter [tilespmem:s7], [sflag:$0x1], $0x2800, $0x38;
	[tilespmem:$0x4F80] =	vst v63  }
0x1d: {  	_ =	swait.ge [sflag:s8], $0x2800  }
0x1e: {  	[sflag:s8] =	ssyncset.done $0x0  }
0x1f: {  	[sflag:s8] =	ssyncadd.s32 $0xFFFFD800  }
0x20: {  	_ =	sfence.sel $0x180000  }
0x21: {  	[bflag:$0x0] =	sbarrier.arrive $0xFFFF  }
0x22: {  	p0 =	sne.s32 s0, $0x0;
	_ =	strace $0x90000047  }
0x23: {  	s0 =	sadd.s32 @!p0 $0x100000, s1;
	[bflag:$0x2] =	sbarrier.arrive $0xFFFF  }
0x24: {  	[sflag:s0] =	ssyncadd.tile.s32 @!p0 $0x1;
	_ =	shalt  }
.Lfunc_end2:
_tile_overlayer_lowered:
.L_overlay_start_2:
0x25: {  	(tag) =	ssettag $0x2  }
0x26: {  	s0 =	rddreg [dreg:$0x0];
	s2 =	stileid.u32  }
0x27: {  	s1 =	rddreg [dreg:$0x1];
	p0 =	sne.s32 s2, $0x0  }
0x28: {  	s3 =	rddreg [dreg:$0x2];
	[bflag:$0x3] =	sbarrier.arrive $0xFFFF;
	s2 =	simm.s32 @!p0 $0x1C01  }
0x29: {  	[timem:s3], [sflag:s2] =	dma.local @!p0 [hbm:s0], s1  }
0x2a: {  	s0 =	simm.s32 @!p0 $0x1  }
0x2b: {  	_ =	swait.ge @!p0 [sflag:s0], s1  }
0x2c: {  	s1 =	ssub.s32 @!p0 $0x0, s1;
	[sflag:s0] =	ssyncset.done @!p0 $0x0  }
0x2d: {  	[sflag:s0] =	ssyncadd.s32 @!p0 s1  }
0x2e: {  	[bflag:$0x3] =	sbarrier.arrive $0xFFFF  }
0x2f: {  	_ =	shalt  }

</sc_bundles>
